<compile_context>
chip_gen: v7x
topology: tpu7x:2x2x1
jax: 0.10.2.dev20260603
libtpu: 0.0.44.dev20260713+nightly
codegen_flags: <defaults>
</compile_context>

<pallas_src>
import functools

import jax
import jax.numpy as jnp
from jax import lax
from jax.experimental import pallas as pl
from jax.experimental.pallas import tpu as pltpu
from jax.experimental.pallas import tpu_sc as plsc

def _argmin_codes(z3, W, PC=512, CC=1024, interpret=False):
    B, C, S = z3.shape
    K, _ = W.shape
    NPC = S // PC
    NCC = K // CC

    def body(w_ref, z_ref, idx_ref):
        zr = z_ref[0]
        zsq = jnp.sum(zr * zr, axis=0, keepdims=True)

        bi = lax.broadcasted_iota(jnp.int32, (CC, 1), 0).astype(jnp.float32)

        def step(c, carry):
            run_d, run_j = carry
            wc = w_ref[pl.ds(c * CC, CC), :]
            wsq = jnp.sum(wc * wc, axis=1, keepdims=True)
            mm2 = lax.dot_general(wc + wc, zr, (((1,), (0,)), ((), ())),
                                  preferred_element_type=jnp.float32)
            d = (zsq + wsq) - mm2
            dmin = jnp.min(d, axis=0, keepdims=True)
            jrel = jnp.min(jnp.where(d == dmin, bi, 3e38), axis=0,
                           keepdims=True)
            j = jrel.astype(jnp.int32) + c * CC
            upd = dmin < run_d
            return jnp.where(upd, dmin, run_d), jnp.where(upd, j, run_j)

        rd0 = jnp.full((1, PC), jnp.inf, jnp.float32)
        rj0 = jnp.zeros((1, PC), jnp.int32)
        _, rj = lax.fori_loop(0, NCC, step, (rd0, rj0))
        idx_ref[0, 0] = rj

    return pl.pallas_call(
        body,
        grid=(B, NPC),
        in_specs=[
            pl.BlockSpec((K, C), lambda b, p: (0, 0)),
            pl.BlockSpec((1, C, PC), lambda b, p: (b, 0, p)),
        ],
        out_specs=pl.BlockSpec((1, 1, 1, PC), lambda b, p: (b, p, 0, 0)),
        out_shape=jax.ShapeDtypeStruct((B, NPC, 1, PC), jnp.int32),
        interpret=interpret,
    )(W, z3)


def _sc_lookup(WT, idx2, z3):
    B, C, S = z3.shape
    mesh = plsc.VectorSubcoreMesh(core_axis_name="c", subcore_axis_name="s")

    @functools.partial(
        pl.kernel, mesh=mesh,
        out_type=jax.ShapeDtypeStruct((B, C, S), jnp.float32),
        compiler_params=pltpu.CompilerParams(needs_layout_passes=False),
        scratch_types=[
            pltpu.VMEM((B, S), jnp.int32),
            pltpu.VMEM((WT.shape[1],), jnp.float32),
            pltpu.VMEM((B, S), jnp.float32),
            pltpu.VMEM((B, S), jnp.float32),
        ],
    )
    def body(wt_hbm, idx_hbm, z_hbm, out_hbm, idx_v, wt_v, z_v, out_v):
        ch = lax.axis_index("s") * 2 + lax.axis_index("c")
        pltpu.sync_copy(idx_hbm, idx_v)
        pltpu.sync_copy(wt_hbm.at[ch], wt_v)
        for b in range(B):
            pltpu.sync_copy(z_hbm.at[b, ch], z_v.at[b])

        def step(i, carry):
            s = i * 16
            for b in range(B):
                iv = idx_v[b, pl.ds(s, 16)]
                g = plsc.load_gather(wt_v, [iv])
                zv = z_v[b, pl.ds(s, 16)]
                out_v[b, pl.ds(s, 16)] = zv + (g - zv)
            return carry

        lax.fori_loop(0, S // 16, step, 0)
        for b in range(B):
            pltpu.sync_copy(out_v.at[b], out_hbm.at[b, ch])

    return body(WT, idx2, z3)


def kernel(z, W):
    B, C, T, H, Wd = z.shape
    S = T * H * Wd
    z3 = z.reshape(B, C, S)
    idx4 = _argmin_codes(z3, W)
    idx2 = idx4.reshape(B, S)
    zq3 = _sc_lookup(jnp.transpose(W), idx2, z3)
    return zq3.reshape(B, C, T, H, Wd), idx2.reshape(B, T, H, Wd)

# --- scband reference (transcript-rebuilt; emitter-appended) ---
"""Pipeline reference for scband-vector-quantizer-25159918420816 (READ-ONLY COPY).

The authoritative reference and input builder live on the scoring server;
editing this copy changes nothing except your own understanding.
"""

import jax, jax.numpy as jnp
import numpy as np


def setup_inputs(seed: int = 0) -> dict:
    key = jax.random.key(seed)
    k1, k2 = jax.random.split(key)
    z = jax.random.normal(k1, (2, 32, 8, 32, 32), dtype=jnp.float32)
    K = 8192
    W = jax.random.uniform(k2, (K, 32), dtype=jnp.float32, minval=-1.0 / K, maxval=1.0 / K)
    return {"z": z, "W": W}


def reference(z, W):
    B, C, T, H, Wd = z.shape
    z_flat = jnp.transpose(z, (0, 2, 3, 4, 1)).reshape(-1, C)
    batch_size = 512
    num_vectors = z_flat.shape[0]
    w_sq = jnp.sum(W ** 2, axis=1)
    idx_list = []
    for i in range(0, num_vectors, batch_size):
        zb = z_flat[i:i + batch_size]
        distances = jnp.sum(zb ** 2, axis=1, keepdims=True) + w_sq - 2.0 * jnp.matmul(zb, W.T)
        idx_list.append(jnp.argmin(distances, axis=1))
    indices = jnp.concatenate(idx_list, axis=0)
    z_q = jnp.take(W, indices, axis=0)
    z_q = jnp.transpose(z_q.reshape(B, T, H, Wd, C), (0, 4, 1, 2, 3))
    z_q = z + jax.lax.stop_gradient(z_q - z)
    return (z_q, indices.reshape(B, T, H, Wd))

if __name__ == "__main__":
    import jax
    _d = setup_inputs()
    print(jax.jit(kernel)(*tuple(_d.values())))

</pallas_src>

<mosaic_0001>
#map = affine_map<(d0, d1) -> (0, 0)>
#map1 = affine_map<(d0, d1) -> (0, 0, 0)>
module attributes {stable_mosaic.version = 14 : i64} {
  func.func @body(%arg0: i32, %arg1: i32, %arg2: memref<32x8192xf32, #tpu.memory_space<hbm>>, %arg3: memref<2x8192xi32, #tpu.memory_space<hbm>>, %arg4: memref<2x32x8192xf32, #tpu.memory_space<hbm>>, %arg5: memref<2x32x8192xf32, #tpu.memory_space<hbm>>, %arg6: memref<2x8192xi32, #tpu.memory_space<vmem>>, %arg7: memref<8192xf32, #tpu.memory_space<vmem>>, %arg8: memref<2x8192xf32, #tpu.memory_space<vmem>>, %arg9: memref<2x8192xf32, #tpu.memory_space<vmem>>) attributes {dimension_semantics = [#tpu.dimension_semantics<core_parallel>, #tpu.dimension_semantics<subcore_parallel>], iteration_bounds = array<i64: 2, 16>, scalar_prefetch = 0 : i64, scratch_operands = 4 : i64, tpu.core_type = #tpu.core_type<sc_vector_subcore>, window_params = [{transform_indices = #map}, {transform_indices = #map}, {transform_indices = #map1}, {transform_indices = #map1}]} {
    %mul3A = arith.constant 2 : i32
    %mul3A_0 = arith.muli %arg1, %mul3A : i32
    %add3A = arith.addi %mul3A_0, %arg0 : i32
    "tpu.region"() ({
      %run_scoped3A_13 = tpu.sem_alloc : memref<!tpu.dma_semaphore, #tpu.memory_space<semaphore_mem>>
      tpu.enqueue_dma source(%arg3 : memref<2x8192xi32, #tpu.memory_space<hbm>>) target(%arg6 : memref<2x8192xi32, #tpu.memory_space<vmem>>) target_semaphore(%run_scoped3A_13 : memref<!tpu.dma_semaphore, #tpu.memory_space<semaphore_mem>>)
      tpu.wait_dma2 semaphore(%run_scoped3A_13 : memref<!tpu.dma_semaphore, #tpu.memory_space<semaphore_mem>>) src(%arg3 : memref<2x8192xi32, #tpu.memory_space<hbm>>) dst(%arg6 : memref<2x8192xi32, #tpu.memory_space<vmem>>)
      tpu.yield
    }) : () -> ()
    "tpu.region"() ({
      %run_scoped3A_13 = tpu.sem_alloc : memref<!tpu.dma_semaphore, #tpu.memory_space<semaphore_mem>>
      %dma_start3A = arith.constant 0 : i32
      %dma_start3A_14 = tpu.memref_slice %arg2[%add3A, %dma_start3A] : memref<32x8192xf32, #tpu.memory_space<hbm>> -> memref<1x8192xf32, #tpu.memory_space<hbm>>
      %dma_start3A_15 = tpu.memref_squeeze %dma_start3A_14 : memref<1x8192xf32, #tpu.memory_space<hbm>> -> memref<8192xf32, #tpu.memory_space<hbm>>
      %dma_start3A_16 = arith.constant 0 : i32
      %dma_start3A_17 = tpu.memref_slice %arg2[%add3A, %dma_start3A_16] : memref<32x8192xf32, #tpu.memory_space<hbm>> -> memref<1x8192xf32, #tpu.memory_space<hbm>>
      %dma_start3A_18 = tpu.memref_squeeze %dma_start3A_17 : memref<1x8192xf32, #tpu.memory_space<hbm>> -> memref<8192xf32, #tpu.memory_space<hbm>>
      tpu.enqueue_dma source(%dma_start3A_18 : memref<8192xf32, #tpu.memory_space<hbm>>) target(%arg7 : memref<8192xf32, #tpu.memory_space<vmem>>) target_semaphore(%run_scoped3A_13 : memref<!tpu.dma_semaphore, #tpu.memory_space<semaphore_mem>>)
      %dma_wait3A = arith.constant 0 : i32
      %dma_wait3A_19 = tpu.memref_slice %arg2[%add3A, %dma_wait3A] : memref<32x8192xf32, #tpu.memory_space<hbm>> -> memref<1x8192xf32, #tpu.memory_space<hbm>>
      %dma_wait3A_20 = tpu.memref_squeeze %dma_wait3A_19 : memref<1x8192xf32, #tpu.memory_space<hbm>> -> memref<8192xf32, #tpu.memory_space<hbm>>
      %dma_wait3A_21 = arith.constant 0 : i32
      %dma_wait3A_22 = tpu.memref_slice %arg2[%add3A, %dma_wait3A_21] : memref<32x8192xf32, #tpu.memory_space<hbm>> -> memref<1x8192xf32, #tpu.memory_space<hbm>>
      %dma_wait3A_23 = tpu.memref_squeeze %dma_wait3A_22 : memref<1x8192xf32, #tpu.memory_space<hbm>> -> memref<8192xf32, #tpu.memory_space<hbm>>
      tpu.wait_dma2 semaphore(%run_scoped3A_13 : memref<!tpu.dma_semaphore, #tpu.memory_space<semaphore_mem>>) src(%dma_wait3A_23 : memref<8192xf32, #tpu.memory_space<hbm>>) dst(%arg7 : memref<8192xf32, #tpu.memory_space<vmem>>)
      tpu.yield
    }) : () -> ()
    %run_scoped3A = arith.constant 0 : i32
    %run_scoped3A_1 = arith.constant 0 : i32
    "tpu.region"() ({
      %run_scoped3A_13 = tpu.sem_alloc : memref<!tpu.dma_semaphore, #tpu.memory_space<semaphore_mem>>
      %dma_start3A = arith.constant 0 : i32
      %dma_start3A_14 = tpu.memref_slice %arg8[%run_scoped3A_1, %dma_start3A] : memref<2x8192xf32, #tpu.memory_space<vmem>> -> memref<1x8192xf32, #tpu.memory_space<vmem>>
      %dma_start3A_15 = tpu.memref_squeeze %dma_start3A_14 : memref<1x8192xf32, #tpu.memory_space<vmem>> -> memref<8192xf32, #tpu.memory_space<vmem>>
      %dma_start3A_16 = arith.constant 0 : i32
      %dma_start3A_17 = tpu.memref_slice %arg4[%run_scoped3A, %add3A, %dma_start3A_16] : memref<2x32x8192xf32, #tpu.memory_space<hbm>> -> memref<1x1x8192xf32, #tpu.memory_space<hbm>>
      %dma_start3A_18 = tpu.memref_squeeze %dma_start3A_17 : memref<1x1x8192xf32, #tpu.memory_space<hbm>> -> memref<8192xf32, #tpu.memory_space<hbm>>
      %dma_start3A_19 = arith.constant 0 : i32
      %dma_start3A_20 = tpu.memref_slice %arg8[%run_scoped3A_1, %dma_start3A_19] : memref<2x8192xf32, #tpu.memory_space<vmem>> -> memref<1x8192xf32, #tpu.memory_space<vmem>>
      %dma_start3A_21 = tpu.memref_squeeze %dma_start3A_20 : memref<1x8192xf32, #tpu.memory_space<vmem>> -> memref<8192xf32, #tpu.memory_space<vmem>>
      %dma_start3A_22 = arith.constant 0 : i32
      %dma_start3A_23 = tpu.memref_slice %arg4[%run_scoped3A, %add3A, %dma_start3A_22] : memref<2x32x8192xf32, #tpu.memory_space<hbm>> -> memref<1x1x8192xf32, #tpu.memory_space<hbm>>
      %dma_start3A_24 = tpu.memref_squeeze %dma_start3A_23 : memref<1x1x8192xf32, #tpu.memory_space<hbm>> -> memref<8192xf32, #tpu.memory_space<hbm>>
      tpu.enqueue_dma source(%dma_start3A_24 : memref<8192xf32, #tpu.memory_space<hbm>>) target(%dma_start3A_21 : memref<8192xf32, #tpu.memory_space<vmem>>) target_semaphore(%run_scoped3A_13 : memref<!tpu.dma_semaphore, #tpu.memory_space<semaphore_mem>>)
      %dma_wait3A = arith.constant 0 : i32
      %dma_wait3A_25 = tpu.memref_slice %arg8[%run_scoped3A_1, %dma_wait3A] : memref<2x8192xf32, #tpu.memory_space<vmem>> -> memref<1x8192xf32, #tpu.memory_space<vmem>>
      %dma_wait3A_26 = tpu.memref_squeeze %dma_wait3A_25 : memref<1x8192xf32, #tpu.memory_space<vmem>> -> memref<8192xf32, #tpu.memory_space<vmem>>
      %dma_wait3A_27 = arith.constant 0 : i32
      %dma_wait3A_28 = tpu.memref_slice %arg4[%run_scoped3A, %add3A, %dma_wait3A_27] : memref<2x32x8192xf32, #tpu.memory_space<hbm>> -> memref<1x1x8192xf32, #tpu.memory_space<hbm>>
      %dma_wait3A_29 = tpu.memref_squeeze %dma_wait3A_28 : memref<1x1x8192xf32, #tpu.memory_space<hbm>> -> memref<8192xf32, #tpu.memory_space<hbm>>
      %dma_wait3A_30 = arith.constant 0 : i32
      %dma_wait3A_31 = tpu.memref_slice %arg8[%run_scoped3A_1, %dma_wait3A_30] : memref<2x8192xf32, #tpu.memory_space<vmem>> -> memref<1x8192xf32, #tpu.memory_space<vmem>>
      %dma_wait3A_32 = tpu.memref_squeeze %dma_wait3A_31 : memref<1x8192xf32, #tpu.memory_space<vmem>> -> memref<8192xf32, #tpu.memory_space<vmem>>
      %dma_wait3A_33 = arith.constant 0 : i32
      %dma_wait3A_34 = tpu.memref_slice %arg4[%run_scoped3A, %add3A, %dma_wait3A_33] : memref<2x32x8192xf32, #tpu.memory_space<hbm>> -> memref<1x1x8192xf32, #tpu.memory_space<hbm>>
      %dma_wait3A_35 = tpu.memref_squeeze %dma_wait3A_34 : memref<1x1x8192xf32, #tpu.memory_space<hbm>> -> memref<8192xf32, #tpu.memory_space<hbm>>
      tpu.wait_dma2 semaphore(%run_scoped3A_13 : memref<!tpu.dma_semaphore, #tpu.memory_space<semaphore_mem>>) src(%dma_wait3A_35 : memref<8192xf32, #tpu.memory_space<hbm>>) dst(%dma_wait3A_32 : memref<8192xf32, #tpu.memory_space<vmem>>)
      tpu.yield
    }) : () -> ()
    %run_scoped3A_2 = arith.constant 1 : i32
    %run_scoped3A_3 = arith.constant 1 : i32
    "tpu.region"() ({
      %run_scoped3A_13 = tpu.sem_alloc : memref<!tpu.dma_semaphore, #tpu.memory_space<semaphore_mem>>
      %dma_start3A = arith.constant 0 : i32
      %dma_start3A_14 = tpu.memref_slice %arg8[%run_scoped3A_3, %dma_start3A] : memref<2x8192xf32, #tpu.memory_space<vmem>> -> memref<1x8192xf32, #tpu.memory_space<vmem>>
      %dma_start3A_15 = tpu.memref_squeeze %dma_start3A_14 : memref<1x8192xf32, #tpu.memory_space<vmem>> -> memref<8192xf32, #tpu.memory_space<vmem>>
      %dma_start3A_16 = arith.constant 0 : i32
      %dma_start3A_17 = tpu.memref_slice %arg4[%run_scoped3A_2, %add3A, %dma_start3A_16] : memref<2x32x8192xf32, #tpu.memory_space<hbm>> -> memref<1x1x8192xf32, #tpu.memory_space<hbm>>
      %dma_start3A_18 = tpu.memref_squeeze %dma_start3A_17 : memref<1x1x8192xf32, #tpu.memory_space<hbm>> -> memref<8192xf32, #tpu.memory_space<hbm>>
      %dma_start3A_19 = arith.constant 0 : i32
      %dma_start3A_20 = tpu.memref_slice %arg8[%run_scoped3A_3, %dma_start3A_19] : memref<2x8192xf32, #tpu.memory_space<vmem>> -> memref<1x8192xf32, #tpu.memory_space<vmem>>
      %dma_start3A_21 = tpu.memref_squeeze %dma_start3A_20 : memref<1x8192xf32, #tpu.memory_space<vmem>> -> memref<8192xf32, #tpu.memory_space<vmem>>
      %dma_start3A_22 = arith.constant 0 : i32
      %dma_start3A_23 = tpu.memref_slice %arg4[%run_scoped3A_2, %add3A, %dma_start3A_22] : memref<2x32x8192xf32, #tpu.memory_space<hbm>> -> memref<1x1x8192xf32, #tpu.memory_space<hbm>>
      %dma_start3A_24 = tpu.memref_squeeze %dma_start3A_23 : memref<1x1x8192xf32, #tpu.memory_space<hbm>> -> memref<8192xf32, #tpu.memory_space<hbm>>
      tpu.enqueue_dma source(%dma_start3A_24 : memref<8192xf32, #tpu.memory_space<hbm>>) target(%dma_start3A_21 : memref<8192xf32, #tpu.memory_space<vmem>>) target_semaphore(%run_scoped3A_13 : memref<!tpu.dma_semaphore, #tpu.memory_space<semaphore_mem>>)
      %dma_wait3A = arith.constant 0 : i32
      %dma_wait3A_25 = tpu.memref_slice %arg8[%run_scoped3A_3, %dma_wait3A] : memref<2x8192xf32, #tpu.memory_space<vmem>> -> memref<1x8192xf32, #tpu.memory_space<vmem>>
      %dma_wait3A_26 = tpu.memref_squeeze %dma_wait3A_25 : memref<1x8192xf32, #tpu.memory_space<vmem>> -> memref<8192xf32, #tpu.memory_space<vmem>>
      %dma_wait3A_27 = arith.constant 0 : i32
      %dma_wait3A_28 = tpu.memref_slice %arg4[%run_scoped3A_2, %add3A, %dma_wait3A_27] : memref<2x32x8192xf32, #tpu.memory_space<hbm>> -> memref<1x1x8192xf32, #tpu.memory_space<hbm>>
      %dma_wait3A_29 = tpu.memref_squeeze %dma_wait3A_28 : memref<1x1x8192xf32, #tpu.memory_space<hbm>> -> memref<8192xf32, #tpu.memory_space<hbm>>
      %dma_wait3A_30 = arith.constant 0 : i32
      %dma_wait3A_31 = tpu.memref_slice %arg8[%run_scoped3A_3, %dma_wait3A_30] : memref<2x8192xf32, #tpu.memory_space<vmem>> -> memref<1x8192xf32, #tpu.memory_space<vmem>>
      %dma_wait3A_32 = tpu.memref_squeeze %dma_wait3A_31 : memref<1x8192xf32, #tpu.memory_space<vmem>> -> memref<8192xf32, #tpu.memory_space<vmem>>
      %dma_wait3A_33 = arith.constant 0 : i32
      %dma_wait3A_34 = tpu.memref_slice %arg4[%run_scoped3A_2, %add3A, %dma_wait3A_33] : memref<2x32x8192xf32, #tpu.memory_space<hbm>> -> memref<1x1x8192xf32, #tpu.memory_space<hbm>>
      %dma_wait3A_35 = tpu.memref_squeeze %dma_wait3A_34 : memref<1x1x8192xf32, #tpu.memory_space<hbm>> -> memref<8192xf32, #tpu.memory_space<hbm>>
      tpu.wait_dma2 semaphore(%run_scoped3A_13 : memref<!tpu.dma_semaphore, #tpu.memory_space<semaphore_mem>>) src(%dma_wait3A_35 : memref<8192xf32, #tpu.memory_space<hbm>>) dst(%dma_wait3A_32 : memref<8192xf32, #tpu.memory_space<vmem>>)
      tpu.yield
    }) : () -> ()
    %scan3A = arith.constant 0 : i32
    %scan3A_4 = arith.constant 0 : i32
    %scan3A_5 = arith.constant 512 : i32
    %scan3A_6 = arith.addi %scan3A_4, %scan3A_5 : i32
    %scan3A_7 = arith.constant 1 : i32
    scf.for %scan3A_13 = %scan3A_4 to %scan3A_6 step %scan3A_7  : i32 {
      %mul3A_14 = arith.constant 16 : i32
      %mul3A_15 = arith.muli %scan3A_13, %mul3A_14 : i32
      %get3A = arith.constant 0 : i32
      %get3A_16 = arith.index_cast %get3A : i32 to index
      %get3A_17 = arith.index_cast %mul3A_15 : i32 to index
      %get3A_18 = tpu.vector_load %arg6[%get3A_16, %get3A_17] {strides = array<i32>} : memref<2x8192xi32, #tpu.memory_space<vmem>>, vector<16xi32>,
      %gather3A = tpu.vector_load_idx %arg7[%get3A_18] : memref<8192xf32, #tpu.memory_space<vmem>>[vector<16xi32>], vector<16xf32>,
      %get3A_19 = arith.constant 0 : i32
      %get3A_20 = arith.index_cast %get3A_19 : i32 to index
      %get3A_21 = arith.index_cast %mul3A_15 : i32 to index
      %get3A_22 = tpu.vector_load %arg8[%get3A_20, %get3A_21] {strides = array<i32>} : memref<2x8192xf32, #tpu.memory_space<vmem>>, vector<16xf32>,
      %sub3A = arith.subf %gather3A, %get3A_22 : vector<16xf32>
      %add3A_23 = arith.addf %get3A_22, %sub3A : vector<16xf32>
      %swap3A = arith.constant 0 : i32
      %swap3A_24 = arith.index_cast %swap3A : i32 to index
      %swap3A_25 = arith.index_cast %mul3A_15 : i32 to index
      %swap3A_26 = tpu.vector_load %arg9[%swap3A_24, %swap3A_25] {strides = array<i32>} : memref<2x8192xf32, #tpu.memory_space<vmem>>, vector<16xf32>,
      tpu.vector_store %arg9[%swap3A_24, %swap3A_25], %add3A_23 {strides = array<i32>} : memref<2x8192xf32, #tpu.memory_space<vmem>>, vector<16xf32>,
      %get3A_27 = arith.constant 1 : i32
      %get3A_28 = arith.index_cast %get3A_27 : i32 to index
      %get3A_29 = arith.index_cast %mul3A_15 : i32 to index
      %get3A_30 = tpu.vector_load %arg6[%get3A_28, %get3A_29] {strides = array<i32>} : memref<2x8192xi32, #tpu.memory_space<vmem>>, vector<16xi32>,
      %gather3A_31 = tpu.vector_load_idx %arg7[%get3A_30] : memref<8192xf32, #tpu.memory_space<vmem>>[vector<16xi32>], vector<16xf32>,
      %get3A_32 = arith.constant 1 : i32
      %get3A_33 = arith.index_cast %get3A_32 : i32 to index
      %get3A_34 = arith.index_cast %mul3A_15 : i32 to index
      %get3A_35 = tpu.vector_load %arg8[%get3A_33, %get3A_34] {strides = array<i32>} : memref<2x8192xf32, #tpu.memory_space<vmem>>, vector<16xf32>,
      %sub3A_36 = arith.subf %gather3A_31, %get3A_35 : vector<16xf32>
      %add3A_37 = arith.addf %get3A_35, %sub3A_36 : vector<16xf32>
      %swap3A_38 = arith.constant 1 : i32
      %swap3A_39 = arith.index_cast %swap3A_38 : i32 to index
      %swap3A_40 = arith.index_cast %mul3A_15 : i32 to index
      %swap3A_41 = tpu.vector_load %arg9[%swap3A_39, %swap3A_40] {strides = array<i32>} : memref<2x8192xf32, #tpu.memory_space<vmem>>, vector<16xf32>,
      tpu.vector_store %arg9[%swap3A_39, %swap3A_40], %add3A_37 {strides = array<i32>} : memref<2x8192xf32, #tpu.memory_space<vmem>>, vector<16xf32>,
    }
    %scan3A_8 = arith.constant 512 : i32
    %run_scoped3A_9 = arith.constant 0 : i32
    %run_scoped3A_10 = arith.constant 0 : i32
    "tpu.region"() ({
      %run_scoped3A_13 = tpu.sem_alloc : memref<!tpu.dma_semaphore, #tpu.memory_space<semaphore_mem>>
      %dma_start3A = arith.constant 0 : i32
      %dma_start3A_14 = tpu.memref_slice %arg9[%run_scoped3A_9, %dma_start3A] : memref<2x8192xf32, #tpu.memory_space<vmem>> -> memref<1x8192xf32, #tpu.memory_space<vmem>>
      %dma_start3A_15 = tpu.memref_squeeze %dma_start3A_14 : memref<1x8192xf32, #tpu.memory_space<vmem>> -> memref<8192xf32, #tpu.memory_space<vmem>>
      %dma_start3A_16 = arith.constant 0 : i32
      %dma_start3A_17 = tpu.memref_slice %arg5[%run_scoped3A_10, %add3A, %dma_start3A_16] : memref<2x32x8192xf32, #tpu.memory_space<hbm>> -> memref<1x1x8192xf32, #tpu.memory_space<hbm>>
      %dma_start3A_18 = tpu.memref_squeeze %dma_start3A_17 : memref<1x1x8192xf32, #tpu.memory_space<hbm>> -> memref<8192xf32, #tpu.memory_space<hbm>>
      %dma_start3A_19 = arith.constant 0 : i32
      %dma_start3A_20 = tpu.memref_slice %arg5[%run_scoped3A_10, %add3A, %dma_start3A_19] : memref<2x32x8192xf32, #tpu.memory_space<hbm>> -> memref<1x1x8192xf32, #tpu.memory_space<hbm>>
      %dma_start3A_21 = tpu.memref_squeeze %dma_start3A_20 : memref<1x1x8192xf32, #tpu.memory_space<hbm>> -> memref<8192xf32, #tpu.memory_space<hbm>>
      %dma_start3A_22 = arith.constant 0 : i32
      %dma_start3A_23 = tpu.memref_slice %arg9[%run_scoped3A_9, %dma_start3A_22] : memref<2x8192xf32, #tpu.memory_space<vmem>> -> memref<1x8192xf32, #tpu.memory_space<vmem>>
      %dma_start3A_24 = tpu.memref_squeeze %dma_start3A_23 : memref<1x8192xf32, #tpu.memory_space<vmem>> -> memref<8192xf32, #tpu.memory_space<vmem>>
      tpu.enqueue_dma source(%dma_start3A_24 : memref<8192xf32, #tpu.memory_space<vmem>>) target(%dma_start3A_21 : memref<8192xf32, #tpu.memory_space<hbm>>) target_semaphore(%run_scoped3A_13 : memref<!tpu.dma_semaphore, #tpu.memory_space<semaphore_mem>>)
      %dma_wait3A = arith.constant 0 : i32
      %dma_wait3A_25 = tpu.memref_slice %arg9[%run_scoped3A_9, %dma_wait3A] : memref<2x8192xf32, #tpu.memory_space<vmem>> -> memref<1x8192xf32, #tpu.memory_space<vmem>>
      %dma_wait3A_26 = tpu.memref_squeeze %dma_wait3A_25 : memref<1x8192xf32, #tpu.memory_space<vmem>> -> memref<8192xf32, #tpu.memory_space<vmem>>
      %dma_wait3A_27 = arith.constant 0 : i32
      %dma_wait3A_28 = tpu.memref_slice %arg5[%run_scoped3A_10, %add3A, %dma_wait3A_27] : memref<2x32x8192xf32, #tpu.memory_space<hbm>> -> memref<1x1x8192xf32, #tpu.memory_space<hbm>>
      %dma_wait3A_29 = tpu.memref_squeeze %dma_wait3A_28 : memref<1x1x8192xf32, #tpu.memory_space<hbm>> -> memref<8192xf32, #tpu.memory_space<hbm>>
      %dma_wait3A_30 = arith.constant 0 : i32
      %dma_wait3A_31 = tpu.memref_slice %arg5[%run_scoped3A_10, %add3A, %dma_wait3A_30] : memref<2x32x8192xf32, #tpu.memory_space<hbm>> -> memref<1x1x8192xf32, #tpu.memory_space<hbm>>
      %dma_wait3A_32 = tpu.memref_squeeze %dma_wait3A_31 : memref<1x1x8192xf32, #tpu.memory_space<hbm>> -> memref<8192xf32, #tpu.memory_space<hbm>>
      %dma_wait3A_33 = arith.constant 0 : i32
      %dma_wait3A_34 = tpu.memref_slice %arg9[%run_scoped3A_9, %dma_wait3A_33] : memref<2x8192xf32, #tpu.memory_space<vmem>> -> memref<1x8192xf32, #tpu.memory_space<vmem>>
      %dma_wait3A_35 = tpu.memref_squeeze %dma_wait3A_34 : memref<1x8192xf32, #tpu.memory_space<vmem>> -> memref<8192xf32, #tpu.memory_space<vmem>>
      tpu.wait_dma2 semaphore(%run_scoped3A_13 : memref<!tpu.dma_semaphore, #tpu.memory_space<semaphore_mem>>) src(%dma_wait3A_35 : memref<8192xf32, #tpu.memory_space<vmem>>) dst(%dma_wait3A_32 : memref<8192xf32, #tpu.memory_space<hbm>>)
      tpu.yield
    }) : () -> ()
    %run_scoped3A_11 = arith.constant 1 : i32
    %run_scoped3A_12 = arith.constant 1 : i32
    "tpu.region"() ({
      %run_scoped3A_13 = tpu.sem_alloc : memref<!tpu.dma_semaphore, #tpu.memory_space<semaphore_mem>>
      %dma_start3A = arith.constant 0 : i32
      %dma_start3A_14 = tpu.memref_slice %arg9[%run_scoped3A_11, %dma_start3A] : memref<2x8192xf32, #tpu.memory_space<vmem>> -> memref<1x8192xf32, #tpu.memory_space<vmem>>
      %dma_start3A_15 = tpu.memref_squeeze %dma_start3A_14 : memref<1x8192xf32, #tpu.memory_space<vmem>> -> memref<8192xf32, #tpu.memory_space<vmem>>
      %dma_start3A_16 = arith.constant 0 : i32
      %dma_start3A_17 = tpu.memref_slice %arg5[%run_scoped3A_12, %add3A, %dma_start3A_16] : memref<2x32x8192xf32, #tpu.memory_space<hbm>> -> memref<1x1x8192xf32, #tpu.memory_space<hbm>>
      %dma_start3A_18 = tpu.memref_squeeze %dma_start3A_17 : memref<1x1x8192xf32, #tpu.memory_space<hbm>> -> memref<8192xf32, #tpu.memory_space<hbm>>
      %dma_start3A_19 = arith.constant 0 : i32
      %dma_start3A_20 = tpu.memref_slice %arg5[%run_scoped3A_12, %add3A, %dma_start3A_19] : memref<2x32x8192xf32, #tpu.memory_space<hbm>> -> memref<1x1x8192xf32, #tpu.memory_space<hbm>>
      %dma_start3A_21 = tpu.memref_squeeze %dma_start3A_20 : memref<1x1x8192xf32, #tpu.memory_space<hbm>> -> memref<8192xf32, #tpu.memory_space<hbm>>
      %dma_start3A_22 = arith.constant 0 : i32
      %dma_start3A_23 = tpu.memref_slice %arg9[%run_scoped3A_11, %dma_start3A_22] : memref<2x8192xf32, #tpu.memory_space<vmem>> -> memref<1x8192xf32, #tpu.memory_space<vmem>>
      %dma_start3A_24 = tpu.memref_squeeze %dma_start3A_23 : memref<1x8192xf32, #tpu.memory_space<vmem>> -> memref<8192xf32, #tpu.memory_space<vmem>>
      tpu.enqueue_dma source(%dma_start3A_24 : memref<8192xf32, #tpu.memory_space<vmem>>) target(%dma_start3A_21 : memref<8192xf32, #tpu.memory_space<hbm>>) target_semaphore(%run_scoped3A_13 : memref<!tpu.dma_semaphore, #tpu.memory_space<semaphore_mem>>)
      %dma_wait3A = arith.constant 0 : i32
      %dma_wait3A_25 = tpu.memref_slice %arg9[%run_scoped3A_11, %dma_wait3A] : memref<2x8192xf32, #tpu.memory_space<vmem>> -> memref<1x8192xf32, #tpu.memory_space<vmem>>
      %dma_wait3A_26 = tpu.memref_squeeze %dma_wait3A_25 : memref<1x8192xf32, #tpu.memory_space<vmem>> -> memref<8192xf32, #tpu.memory_space<vmem>>
      %dma_wait3A_27 = arith.constant 0 : i32
      %dma_wait3A_28 = tpu.memref_slice %arg5[%run_scoped3A_12, %add3A, %dma_wait3A_27] : memref<2x32x8192xf32, #tpu.memory_space<hbm>> -> memref<1x1x8192xf32, #tpu.memory_space<hbm>>
      %dma_wait3A_29 = tpu.memref_squeeze %dma_wait3A_28 : memref<1x1x8192xf32, #tpu.memory_space<hbm>> -> memref<8192xf32, #tpu.memory_space<hbm>>
      %dma_wait3A_30 = arith.constant 0 : i32
      %dma_wait3A_31 = tpu.memref_slice %arg5[%run_scoped3A_12, %add3A, %dma_wait3A_30] : memref<2x32x8192xf32, #tpu.memory_space<hbm>> -> memref<1x1x8192xf32, #tpu.memory_space<hbm>>
      %dma_wait3A_32 = tpu.memref_squeeze %dma_wait3A_31 : memref<1x1x8192xf32, #tpu.memory_space<hbm>> -> memref<8192xf32, #tpu.memory_space<hbm>>
      %dma_wait3A_33 = arith.constant 0 : i32
      %dma_wait3A_34 = tpu.memref_slice %arg9[%run_scoped3A_11, %dma_wait3A_33] : memref<2x8192xf32, #tpu.memory_space<vmem>> -> memref<1x8192xf32, #tpu.memory_space<vmem>>
      %dma_wait3A_35 = tpu.memref_squeeze %dma_wait3A_34 : memref<1x8192xf32, #tpu.memory_space<vmem>> -> memref<8192xf32, #tpu.memory_space<vmem>>
      tpu.wait_dma2 semaphore(%run_scoped3A_13 : memref<!tpu.dma_semaphore, #tpu.memory_space<semaphore_mem>>) src(%dma_wait3A_35 : memref<8192xf32, #tpu.memory_space<vmem>>) dst(%dma_wait3A_32 : memref<8192xf32, #tpu.memory_space<hbm>>)
      tpu.yield
    }) : () -> ()
    return
  }
}

module attributes {stable_mosaic.version = 14 : i64} {
  func.func @body(%arg0: i32, %arg1: i32, %arg2: memref<8192x32xf32, #tpu.memory_space<vmem>>, %arg3: memref<1x32x512xf32, #tpu.memory_space<vmem>>, %arg4: memref<1x1x1x512xi32, #tpu.memory_space<vmem>>) attributes {dimension_semantics = [#tpu.dimension_semantics<arbitrary>, #tpu.dimension_semantics<arbitrary>], iteration_bounds = array<i64: 2, 16>, scalar_prefetch = 0 : i64, scratch_operands = 0 : i64, tpu.core_type = #tpu.core_type<tc>, window_params = [{pipeline_mode = #tpu.pipeline_mode<synchronous>, transform_indices = @transform_0, window_bounds = array<i64: 8192, 32>}, {transform_indices = @transform_1, window_bounds = array<i64: 1, 32, 512>}, {transform_indices = @transform_2, window_bounds = array<i64: 1, 1, 1, 512>}]} {
    %get3A = arith.constant 0 : index
    %get3A_0 = arith.constant 0 : index
    %get3A_1 = arith.constant 0 : index
    %get3A_2 = vector.load %arg3[%get3A, %get3A_0, %get3A_1] : memref<1x32x512xf32, #tpu.memory_space<vmem>>, vector<1x32x512xf32>
    %get3A_3 = vector.shape_cast %get3A_2 : vector<1x32x512xf32> to vector<32x512xf32>
    %mul3A = arith.mulf %get3A_3, %get3A_3 : vector<32x512xf32>
    %reduce_sum3A = arith.constant dense<0.000000e+00> : vector<512xf32>
    %reduce_sum3A_4 = vector.multi_reduction <add>, %mul3A, %reduce_sum3A [0] : vector<32x512xf32> to vector<512xf32>
    %broadcast_in_dim3A = vector.shape_cast %reduce_sum3A_4 : vector<512xf32> to vector<1x512xf32>
    %iota3A = tpu.iota {dimensions = array<i32: 0>} : vector<1024x1xi32>
    %convert_element_type3A = arith.sitofp %iota3A : vector<1024x1xi32> to vector<1024x1xf32>
    %broadcast_in_dim3A_5 = arith.constant 0x7F800000 : f32
    %broadcast_in_dim3A_6 = vector.broadcast %broadcast_in_dim3A_5 : f32 to vector<1x512xf32>
    %broadcast_in_dim3A_7 = arith.constant 0 : i32
    %broadcast_in_dim3A_8 = vector.broadcast %broadcast_in_dim3A_7 : i32 to vector<1x512xi32>
    %scan3A = arith.constant 0 : i32
    %scan3A_9 = arith.constant 8 : i32
    %scan3A_10 = arith.addi %scan3A, %scan3A_9 : i32
    %scan3A_11 = arith.constant 1 : i32
    %scan3A_12:2 = scf.for %scan3A_20 = %scan3A to %scan3A_10 step %scan3A_11 iter_args(%scan3A_21 = %broadcast_in_dim3A_6, %scan3A_22 = %broadcast_in_dim3A_8) -> (vector<1x512xf32>, vector<1x512xi32>)  : i32 {
      %mul3A_23 = arith.constant 1024 : i32
      %mul3A_24 = arith.muli %scan3A_20, %mul3A_23 : i32
      %get3A_25 = arith.index_cast %mul3A_24 : i32 to index
      %get3A_26 = arith.constant 0 : index
      %get3A_27 = vector.load %arg2[%get3A_25, %get3A_26] : memref<8192x32xf32, #tpu.memory_space<vmem>>, vector<1024x32xf32>
      %mul3A_28 = arith.mulf %get3A_27, %get3A_27 : vector<1024x32xf32>
      %reduce_sum3A_29 = arith.constant dense<0.000000e+00> : vector<1024xf32>
      %reduce_sum3A_30 = vector.multi_reduction <add>, %mul3A_28, %reduce_sum3A_29 [1] : vector<1024x32xf32> to vector<1024xf32>
      %broadcast_in_dim3A_31 = vector.shape_cast %reduce_sum3A_30 : vector<1024xf32> to vector<1024x1xf32>
      %add3A = arith.addf %get3A_27, %get3A_27 : vector<1024x32xf32>
      %dot_general3A = arith.constant dense<0.000000e+00> : vector<1024x512xf32>
      %dot_general3A_32 = tpu.matmul %add3A, %get3A_3, %dot_general3A {dimension_numbers = #tpu.dot_dimension_numbers<[1], [0], [0], [1], [0, 0, 1, 1], [], []>, transpose_lhs_hint = false} : vector<1024x32xf32>, vector<32x512xf32>, vector<1024x512xf32> -> vector<1024x512xf32>
      %add3A_33 = vector.broadcast %broadcast_in_dim3A : vector<1x512xf32> to vector<1024x512xf32>
      %add3A_34 = vector.broadcast %broadcast_in_dim3A_31 : vector<1024x1xf32> to vector<1024x512xf32>
      %add3A_35 = arith.addf %add3A_33, %add3A_34 : vector<1024x512xf32>
      %sub3A = arith.subf %add3A_35, %dot_general3A_32 : vector<1024x512xf32>
      %reduce_min3A = arith.constant dense<0x7F800000> : vector<512xf32>
      %reduce_min3A_36 = vector.multi_reduction <minimumf>, %sub3A, %reduce_min3A [0] : vector<1024x512xf32> to vector<512xf32>
      %broadcast_in_dim3A_37 = vector.shape_cast %reduce_min3A_36 : vector<512xf32> to vector<1x512xf32>
      %eq3A = vector.broadcast %broadcast_in_dim3A_37 : vector<1x512xf32> to vector<1024x512xf32>
      %eq3A_38 = arith.cmpf oeq, %sub3A, %eq3A : vector<1024x512xf32>
      %jit3A = arith.constant 3.000000e+38 : f32
      %broadcast_in_dim3A_39 = vector.shape_cast %convert_element_type3A : vector<1024x1xf32> to vector<1024x1xf32>
      %broadcast_in_dim3A_40 = vector.broadcast %broadcast_in_dim3A_39 : vector<1024x1xf32> to vector<1024x512xf32>
      %broadcast_in_dim3A_41 = vector.broadcast %jit3A : f32 to vector<1024x512xf32>
      %select_n3A = arith.select %eq3A_38, %broadcast_in_dim3A_40, %broadcast_in_dim3A_41 : vector<1024x512xi1>, vector<1024x512xf32>
      %reduce_min3A_42 = arith.constant dense<0x7F800000> : vector<512xf32>
      %reduce_min3A_43 = vector.multi_reduction <minimumf>, %select_n3A, %reduce_min3A_42 [0] : vector<1024x512xf32> to vector<512xf32>
      %broadcast_in_dim3A_44 = vector.shape_cast %reduce_min3A_43 : vector<512xf32> to vector<1x512xf32>
      %convert_element_type3A_45 = arith.fptosi %broadcast_in_dim3A_44 : vector<1x512xf32> to vector<1x512xi32>
      %mul3A_46 = arith.constant 1024 : i32
      %mul3A_47 = arith.muli %scan3A_20, %mul3A_46 : i32
      %add3A_48 = vector.broadcast %mul3A_47 : i32 to vector<1x512xi32>
      %add3A_49 = arith.addi %convert_element_type3A_45, %add3A_48 : vector<1x512xi32>
      %lt3A = arith.cmpf olt, %broadcast_in_dim3A_37, %scan3A_21 : vector<1x512xf32>
      %select_n3A_50 = arith.select %lt3A, %broadcast_in_dim3A_37, %scan3A_21 : vector<1x512xi1>, vector<1x512xf32>
      %select_n3A_51 = arith.select %lt3A, %add3A_49, %scan3A_22 : vector<1x512xi1>, vector<1x512xi32>
      scf.yield %select_n3A_50, %select_n3A_51 : vector<1x512xf32>, vector<1x512xi32>
    }
    %scan3A_13 = arith.constant 8 : i32
    %swap3A = arith.constant 0 : index
    %swap3A_14 = arith.constant 0 : index
    %swap3A_15 = arith.constant 0 : index
    %swap3A_16 = arith.constant 0 : index
    %swap3A_17 = vector.load %arg4[%swap3A, %swap3A_14, %swap3A_15, %swap3A_16] : memref<1x1x1x512xi32, #tpu.memory_space<vmem>>, vector<1x1x1x512xi32>
    %swap3A_18 = vector.shape_cast %swap3A_17 : vector<1x1x1x512xi32> to vector<1x512xi32>
    %swap3A_19 = vector.shape_cast %scan3A_12#1 : vector<1x512xi32> to vector<1x1x1x512xi32>
    tpu.vector_store %arg4[%swap3A, %swap3A_14, %swap3A_15, %swap3A_16], %swap3A_19 {strides = array<i32>} : memref<1x1x1x512xi32, #tpu.memory_space<vmem>>, vector<1x1x1x512xi32>,
    return
  }
  func.func @transform_0(%arg0: i32, %arg1: i32) -> (i32, i32) {
    %c0_i32 = arith.constant 0 : i32
    %c0_i32_0 = arith.constant 0 : i32
    %c0_i32_1 = arith.constant 0 : i32
    return %c0_i32, %c0_i32_0 : i32, i32
  }
  func.func @transform_1(%arg0: i32, %arg1: i32) -> (i32, i32, i32) {
    %c0_i32 = arith.constant 0 : i32
    %c0_i32_0 = arith.constant 0 : i32
    return %arg0, %c0_i32, %arg1 : i32, i32, i32
  }
  func.func @transform_2(%arg0: i32, %arg1: i32) -> (i32, i32, i32, i32) {
    %c0_i32 = arith.constant 0 : i32
    %c0_i32_0 = arith.constant 0 : i32
    %c0_i32_1 = arith.constant 0 : i32
    return %arg0, %arg1, %c0_i32, %c0_i32_0 : i32, i32, i32, i32
  }
}

</mosaic_0001>

<sc_bundles>
// kernel: kernel.4.cloned.1.call-start
scs
__scs_entry_jumppad:
0x0: {  	(pc) =	sbr.rel $0x88, $3  }
0x1: {  	(tag) =	ssettag $0x0;
	lr =	simm.s32 $0x1  }
0x2: {  	[smem:$0x3F9F] =	sst lr;
	_ =	strace $0xD0000000  }
0x3: {  	_ = 	snop  }
0x4: {  	_ = 	snop  }
0x5: {  	_ = 	snop  }
0x6: {  	_ = 	snop  }
0x7: {  	_ = 	snop  }
__scs_overlays_trampoline_lowered:
0x8: {  	[smem:$0x3FAE] =	sst s0  }
0x9: {  	[smem:$0x3FAF] =	sst s1  }
0xa: {  	[smem:$0x3FB0] =	sst s2  }
0xb: {  	[smem:$0x3FB1] =	sst s3  }
0xc: {  	[smem:$0x3FB2] =	sst s4  }
0xd: {  	[smem:$0x3FB3] =	sst s5  }
0xe: {  	[smem:$0x3FB4] =	sst s6  }
0xf: {  	[smem:$0x3FB5] =	sst s7  }
0x10: {  	[smem:$0x3FB6] =	sst s8  }
0x11: {  	[smem:$0x3FB7] =	sst s9;
	s0 =	simm.s32 @!p0 $0x0  }
0x12: {  	s1 =	sld [smem:$0x3F9D];
	s0 =	simm.s32 @p0 $0x1  }
0x13: {  	[smem:$0x3FB8] =	sst s0;
	s0 =	simm.s32 @!p1 $0x0  }
0x14: {  	s2 =	sld [smem:$0x3F9C];
	s0 =	simm.s32 @p1 $0x1  }
0x15: {  	[smem:$0x3FB9] =	sst s0;
	s0 =	simm.s32 @!p2 $0x0  }
0x16: {  	s3 =	sld [smem:$0x3FDB];
	s0 =	simm.s32 @p2 $0x1  }
0x17: {  	s4 =	simm.s32 $0x1BF5;
	[smem:$0x3FBB] =	sst s0  }
0x18: {  	s0 =	sld [smem:$0x3F9E];
	_ =	swait.ge [sflag:s4], $0x0  }
0x19: {  	s7 =	sld [smem:$0x3F9F]  }
0x1a: {  	s8 =	sadd.s32 $0xFFFFE003, lr  }
0x1b: {  	s9 =	sadd.s32 $0xFFFFFEF7, lr;
	s5 =	simm.s32 $0xFFFFFFFF;
	p2 =	slt.u32 s8, $0xFFFFF086  }
0x1c: {  	p1 =	slt.u32 s9, $0xF7A;
	s5 =	simm.s32 @!p2 $0x0  }
0x1d: {  	s5 =	simm.s32 @p1 $0x1;
	p0 =	seq.s32 s7, s2  }
0x1e: {  	s7 =	smul.u32 @!p0 $0xF7A, s2;
	p2 =	seq.s32 @!p0 s5, $0x0  }
0x1f: {  	s9 =	smul.u32 $0xF7A, s1;
	s8 =	simm.s32 @!p0 $0x1BF5;
	p2 =	por !p2, p0  }
0x20: {  	[sflag:s8] =	ssyncset.s32 @!p0 $0xFFFFF086;
	s6 =	sadd.s32 @!p0 s3, s7;
	s7 =	simm.s32 @!p0 $0x108  }
0x21: {  	s3 =	sadd.s32 s3, s9;
	s6 =	sadd.s32 @!p0 $0x88, s6;
	s7 =	simm.s32 @p2 $0x1082  }
0x22: {  	[simem:s7], [sflag:s8] =	dma.local @!p0 [hbm:s6], $0xF7A  }
0x23: {  	s9 =	sor.u32 $0xD0000000, s2;
	s6 =	simm.s32 $0x108;
	_ =	swait.ge @!p0 [sflag:s8], $0x0  }
0x24: {  	s3 =	sadd.s32 $0x88, s3;
	s6 =	simm.s32 @!p1 $0x1082;
	[sflag:s4] =	ssyncset.s32 $0xFFFFF086  }
0x25: {  	[simem:s6], [sflag:s4] =	dma.local [hbm:s3], $0xF7A  }
0x26: {  	[smem:$0x3F9F] =	sst s1;
	(tag) =	ssettag s2;
	_ =	strace s9  }
0x27: {  	s1 =	sld [smem:$0x3FAF]  }
0x28: {  	s2 =	sld [smem:$0x3FB0]  }
0x29: {  	s4 =	sld [smem:$0x3FB2]  }
0x2a: {  	p0 =	seq.s32 s5, $0x0;
	s5 =	sld [smem:$0x3FB3]  }
0x2b: {  	s6 =	sld [smem:$0x3FB4]  }
0x2c: {  	s7 =	sld [smem:$0x3FB5]  }
0x2d: {  	s3 =	simm.s32 $0x108;
	s8 =	sld [smem:$0x3FB6]  }
0x2e: {  	s3 =	simm.s32 @!p0 $0x1082;
	s9 =	sld [smem:$0x3FB7]  }
0x2f: {  	lr =	sadd.s32 s0, s3;
	s0 =	sld [smem:$0x3FAE]  }
0x30: {  	s3 =	sld [smem:$0x3FB1]  }
0x31: {  	[smem:$0x3FBA] =	sst s10  }
0x32: {  	s10 =	sld [smem:$0x3FB8];
	_ =	sdelay $0x3  }
0x33: {  	p0 =	seq.s32 s10, $0x1;
	s10 =	sld [smem:$0x3FBA];
	_ =	sdelay $0x3  }
0x34: {  	[smem:$0x3FBA] =	sst s10  }
0x35: {  	s10 =	sld [smem:$0x3FB9];
	_ =	sdelay $0x3  }
0x36: {  	p1 =	seq.s32 s10, $0x1;
	s10 =	sld [smem:$0x3FBA];
	_ =	sdelay $0x3  }
0x37: {  	[smem:$0x3FBA] =	sst s10  }
0x38: {  	s10 =	sld [smem:$0x3FBB]  }
0x39: {  	_ = 	snop;
	(pc) =	sbr.ind lr, $3  }
0x3a: {  	_ = 	snop  }
0x3b: {  	_ = 	snop  }
0x3c: {  	p2 =	seq.s32 s10, $0x1;
	s10 =	sld [smem:$0x3FBA]  }
0x3d: {  	_ =	shalt  }
0x3e: {  	_ =	shalt  }
0x3f: {  	_ =	shalt  }
0x40: {  	_ =	shalt  }
0x41: {  	_ =	shalt  }
0x42: {  	_ =	shalt  }
0x43: {  	_ =	shalt  }
0x44: {  	_ =	shalt  }
0x45: {  	_ =	shalt  }
0x46: {  	_ =	shalt  }
0x47: {  	_ =	shalt  }
0x48: {  	_ =	shalt  }
0x49: {  	_ =	shalt  }
0x4a: {  	_ =	shalt  }
0x4b: {  	_ =	shalt  }
0x4c: {  	_ =	shalt  }
0x4d: {  	_ =	shalt  }
0x4e: {  	_ =	shalt  }
0x4f: {  	_ =	shalt  }
0x50: {  	_ =	shalt  }
0x51: {  	_ =	shalt  }
0x52: {  	_ =	shalt  }
0x53: {  	_ =	shalt  }
0x54: {  	_ =	shalt  }
0x55: {  	_ =	shalt  }
0x56: {  	_ =	shalt  }
0x57: {  	_ =	shalt  }
0x58: {  	_ =	shalt  }
0x59: {  	_ =	shalt  }
0x5a: {  	_ =	shalt  }
0x5b: {  	_ =	shalt  }
0x5c: {  	_ =	shalt  }
0x5d: {  	_ =	shalt  }
0x5e: {  	_ =	shalt  }
0x5f: {  	_ =	shalt  }
0x60: {  	_ =	shalt  }
0x61: {  	_ =	shalt  }
0x62: {  	_ =	shalt  }
0x63: {  	_ =	shalt  }
0x64: {  	_ =	shalt  }
0x65: {  	_ =	shalt  }
0x66: {  	_ =	shalt  }
0x67: {  	_ =	shalt  }
0x68: {  	_ =	shalt  }
0x69: {  	_ =	shalt  }
0x6a: {  	_ =	shalt  }
0x6b: {  	_ =	shalt  }
0x6c: {  	_ =	shalt  }
0x6d: {  	_ =	shalt  }
0x6e: {  	_ =	shalt  }
0x6f: {  	_ =	shalt  }
0x70: {  	_ =	shalt  }
0x71: {  	_ =	shalt  }
0x72: {  	_ =	shalt  }
0x73: {  	_ =	shalt  }
0x74: {  	_ =	shalt  }
0x75: {  	_ =	shalt  }
0x76: {  	_ =	shalt  }
0x77: {  	_ =	shalt  }
0x78: {  	_ =	shalt  }
0x79: {  	_ =	shalt  }
0x7a: {  	_ =	shalt  }
0x7b: {  	_ =	shalt  }
0x7c: {  	_ =	shalt  }
0x7d: {  	_ =	shalt  }
0x7e: {  	_ =	shalt  }
0x7f: {  	_ =	shalt  }
0x80: {  	_ =	shalt  }
0x81: {  	_ =	shalt  }
0x82: {  	_ =	shalt  }
0x83: {  	_ =	shalt  }
0x84: {  	_ =	shalt  }
0x85: {  	_ =	shalt  }
0x86: {  	_ =	shalt  }
0x87: {  	_ =	shalt  }
.Lfunc_end0:
.L_simem_size_0:
called_computation_lowered:
.L_overlay_start_0:
0x88: {  	s2 =	sld [smem:$0x3FD9]  }
0x89: {  	s3 =	sld [smem:$0x3FFE];
	_ =	sdelay $0x1  }
0x8a: {  	s1 =	srdreg.scid  }
0x8b: {  	s0 =	sand.u32 $0x1, s1  }
0x8c: {  	s14 =	sshll.u32 s0, $0xA;
	s2 =	sadd.s32 s3, s2  }
0x8d: {  	s2 =	sadd.s32 s2, s14  }
0x8e: {  	[smem:$0x3FC6] =	sst s2  }
0x8f: {  	_ = 	snop  }
0x90: {  	s2 =	sld [smem:$0x3FD0];
	_ =	sdelay $0x2  }
0x91: {  	s4 =	simm.s32 $0xA;
	s5 =	simm.s32 $0x10;
	s15 =	sld [smem:$0x3FC8]  }
0x92: {  	[smem:s5], [sflag:s4] =	dma.local [hbm:s2], $0x1  }
0x93: {  	_ =	swait.eq [sflag:s4], $0x1  }
0x94: {  	[sflag:s4] =	ssyncset.done $0x0  }
0x95: {  	[sflag:s4] =	ssyncadd.s32 $0xFFFFFFFF  }
0x96: {  	s16 =	sld [smem:$0x10];
	(tm) =	ssettm $0x1  }
0x97: {  	s17 =	sld [smem:$0x3FFB];
	_ =	sdelay $0x3  }
0x98: {  	_ =	strace s17  }
0x99: {  	s4 =	sld [smem:$0x3FFC];
	_ =	sdelay $0x3  }
0x9a: {  	_ =	strace s4  }
0x9b: {  	s4 =	sld [smem:$0x3FFD];
	_ =	sdelay $0x3  }
0x9c: {  	_ =	strace s4  }
0x9d: {  	_ =	strace $0x8FFFFFFF  }
0x9e: {  	s18 =	sld [smem:$0x3FDB];
	_ =	sdelay $0x1  }
0x9f: {  	s19 =	simm.s32 $_scs_section_size  }
0xa0: {  	s6 =	simm.s32 $_size__tile_overlayer_lowered;
	s7 =	simm.s32 $_tile_overlayer_lowered  }
0xa1: {  	s22 =	simm.s32 $0x1BFF;
	s21 =	sshll.u32 s7, $0x1;
	s4 =	sadd.s32 s19, s18  }
0xa2: {  	s8 =	simm.s32 $0x0;
	s20 =	sshll.u32 s6, $0x1;
	s6 =	sadd.s32 s21, s4  }
0xa3: {  	[timem:s8], [sflag:s22] =	dma.local [hbm:s6], s20  }
0xa4: {  	_ =	swait.ge [sflag:s22], s20  }
0xa5: {  	s5 =	ssub.s32 $0x0, s20;
	[sflag:s22] =	ssyncset.done $0x0  }
0xa6: {  	[sflag:s22] =	ssyncadd.s32 s5;
	_ =	sdelay $0x1  }
0xa7: {  	s23 =	simm.s32 $0x1B8B  }
0xa8: {  	_ =	swait.ge [sflag:s23], $0x1  }
0xa9: {  	[sflag:s23] =	ssyncset.done $0x0  }
0xaa: {  	s25 =	simm.s32 $0x1B8E;
	s24 =	sld [smem:$0x3FFE];
	[sflag:s23] =	ssyncadd.s32 $0xFFFFFFFF  }
0xab: {  	s26 =	simm.s32 $execute0_lowered;
	[smem:$0x3FD2] =	sst s25  }
0xac: {  	s6 =	sshll.u32 s26, $0x1;
	_ =	strace $0x80000046;
	[dreg:$0x1] =	wrdreg $0xFFFFFFFF  }
0xad: {  	s28 =	simm.s32 $_size_execute0_lowered;
	s4 =	sadd.s32 s4, s6;
	[dreg:$0x0] =	wrdreg $0x0  }
0xae: {  	s6 =	sshll.u32 s28, $0x1;
	[dreg:$0x2] =	wrdreg s4  }
0xaf: {  	[dreg:$0x3] =	wrdreg s6  }
0xb0: {  	[dreg:$0x4] =	wrdreg $0xC0  }
0xb1: {  	_ =	task [dreg:s8], $0x5FFFF  }
0xb2: {  	[dreg:$0x1] =	wrdreg $0xFFFFFFFF  }
0xb3: {  	[dreg:$0x0] =	wrdreg $0x60  }
0xb4: {  	[dreg:$0x2] =	wrdreg s15  }
0xb5: {  	[dreg:$0x3] =	wrdreg s24  }
0xb6: {  	[dreg:$0x4] =	wrdreg s16  }
0xb7: {  	[dreg:$0x5] =	wrdreg $0x9  }
0xb8: {  	_ =	task.clear_ibuf [dreg:s8], $0x6FFFF;
	_ =	strace $0x90000046  }
0xb9: {  	s29 =	simm.s32 $0x9;
	_ =	strace $0x80000048  }
0xba: {  	_ =	swait.ge [sflag:s29], $0x1  }
0xbb: {  	[sflag:s29] =	ssyncadd.s32 $0xFFFFFFFF  }
0xbc: {  	_ =	strace $0x90000048  }
0xbd: {  	_ =	sfence  }
0xbe: {  	s30 =	sld [smem:$0x0];
	_ =	sdelay $0x2  }
0xbf: {  	s31 =	sshll.u32 s1, $0xD;
	s1 =	sshrl.u32 s1, $0x2  }
0xc0: {  	s3 =	sand.u32 $0x4000, s31;
	s1 =	sadd.s32 s1, s30  }
0xc1: {  	s0 =	sor.u32 s3, s0;
	s1 =	sshll.u32 s1, $0x11  }
0xc2: {  	s0 =	sor.u32 s1, s0  }
0xc3: {  	s0 =	sadd.s32 $0x8F2B, s0  }
0xc4: {  	[sflag:s0] =	ssyncadd.remote.s32 $0x1  }
0xc5: {  	_ =	sfence.sel $0xFFFF  }
0xc6: {  	[dreg:$0x0] =	wrdreg $0xFFFFFFFF;
	(pc) =	sbr.abs _section_cstart, $3  }
0xc7: {  	[dreg:$0x1] =	wrdreg $0xFFFFFFFF  }
0xc8: {  	_ =	task.clear_ibuf [dreg:s8], $0x2FFFF;
	_ =	strace $0x9FFFFFFF  }
0xc9: {  	(tm) =	ssettm $0x7FFFFFFF  }
tec
execute0_lowered:
.L_overlay_start_1:
0x0: {  	(tag) =	ssettag $0x1  }
0x1: {  	s4 =	rddreg [dreg:$0x0]  }
0x2: {  	s5 =	rddreg [dreg:$0x1]  }
0x3: {  	s6 =	rddreg [dreg:$0x2]  }
0x4: {  	s0 =	rddreg [dreg:$0x3]  }
0x5: {  	s2 =	simm.s32 $0x0;
	s3 =	srdreg.scid;
	s1 =	stileid.u32  }
0x6: {  	s12 =	simm.s32 $0x400;
	s13 =	simm.s32 $0x4000;
	s14 =	simm.s32 $0x0  }
0x7: {  	[smem:$0x7FF] =	sst s2;
	s7 =	sand.u32 $0x1, s3;
	s3 =	sadd.s32 $0x400, s5  }
0x8: {  	s9 =	sshll.u32 s1, $0x5;
	s10 =	sshll.u32 s1, $0xB;
	s30 =	sadd.s32 $0xC00, s5  }
0x9: {  	s8 =	ssub.s32 $0x2, s7;
	s7 =	sshll.u32 s7, $0x4;
	s9 =	sand.u32 $0x60, s9  }
0xa: {  	s10 =	sand.u32 $0x6000, s10;
	s11 =	sshrl.u32 s8, $0x1;
	s7 =	sor.u32 s7, s9  }
0xb: {  	_ =	strace $0x80000047;
	s11 =	ssub.s32 s8, s11;
	s7 =	sor.u32 s10, s7  }
0xc: {  	s10 =	simm.s32 $0x1;
	s4 =	sadd.s32 s4, s7;
	s5 =	sadd.s32 s6, s7  }
0xd: {  	s31 =	sor.u32 $0x8000, s7;
	s7 =	sadd.s32 s30, s7;
	s9 =	smax.u32 s11, $0x1  }
0xe: {  	s11 =	simm.s32 $0x80;
	s6 =	sadd.s32 s6, s31;
	s8 =	sadd.s32 s30, s31  }
.LBB2_1:
0xf: {  	[tilespmem:s2], [sflag:$0x1] =	stream.linear.gather [hbm4b:s3+s2], $0x4000, $0x38;
	[tilespmem:$0xE000] =	vst v63  }
0x10: {  	_ =	swait.ge [sflag:s10], $0x4000  }
0x11: {  	[sflag:s10] =	ssyncset.done $0x0  }
0x12: {  	[sflag:s10] =	ssyncadd.s32 $0xFFFFC000  }
0x13: {  	[tilespmem:s13], [sflag:$0x1] =	stream.strided.gather [hbm4b:s4+s11], $0x2000, s12, s11, $0x38;
	[tilespmem:$0xE000] =	vst v63  }
0x14: {  	_ =	swait.ge [sflag:s10], $0x2000  }
0x15: {  	s15 =	simm.s32 $0x6000;
	s16 =	simm.s32 $0x80;
	[sflag:s10] =	ssyncset.done $0x0  }
0x16: {  	s18 =	sadd.s32 $0x0, s5;
	s17 =	simm.s32 $0x6100;
	[sflag:s10] =	ssyncadd.s32 $0xFFFFE000  }
.LBB2_2:
0x17: {  	[tilespmem:s15], [sflag:$0x1] =	stream.linear.gather [hbm4b:s18+s2], $0x80, $0x38;
	[tilespmem:$0xE000] =	vst v63  }
0x18: {  	s18 =	smov.u32 s16;
	s15 =	smov.u32 s17;
	p0 =	sne.s32 s16, $0x1F80  }
.Ltmp0:
0x19: {  	s16 =	sadd.s32 $0x80, s16;
	(pc) =	sbr.rel @p0 .LBB2_2-.Ltmp0, $2  }
0x1a: {  	_ =	sdelay $0x2  }
0x1b: {  	s17 =	sadd.s32 $0x100, s17;
	s18 =	sadd.s32 s18, s5  }
0x1c: {  	[tilespmem:s15], [sflag:$0x1] =	stream.linear.gather [hbm4b:s18+s2], $0x80, $0x38;
	[tilespmem:$0xE000] =	vst v63  }
0x1d: {  	_ =	swait.ge [sflag:s10], $0x2000  }
0x1e: {  	s15 =	simm.s32 $0x6080;
	s16 =	simm.s32 $0x80;
	[sflag:s10] =	ssyncset.done $0x0  }
0x1f: {  	s18 =	sadd.s32 $0x0, s6;
	s17 =	simm.s32 $0x6180;
	[sflag:s10] =	ssyncadd.s32 $0xFFFFE000  }
.LBB2_4:
0x20: {  	[tilespmem:s15], [sflag:$0x1] =	stream.linear.gather [hbm4b:s18+s2], $0x80, $0x38;
	[tilespmem:$0xE000] =	vst v63  }
0x21: {  	s18 =	smov.u32 s16;
	s15 =	smov.u32 s17;
	p0 =	sne.s32 s16, $0x1F80  }
.Ltmp1:
0x22: {  	s16 =	sadd.s32 $0x80, s16;
	(pc) =	sbr.rel @p0 .LBB2_4-.Ltmp1, $2  }
0x23: {  	_ =	sdelay $0x2  }
0x24: {  	s17 =	sadd.s32 $0x100, s17;
	s18 =	sadd.s32 s18, s6  }
0x25: {  	[tilespmem:s15], [sflag:$0x1] =	stream.linear.gather [hbm4b:s18+s2], $0x80, $0x38;
	[tilespmem:$0xE000] =	vst v63  }
0x26: {  	s31 =	simm.s32 $0x0;
	_ =	swait.ge [sflag:s10], $0x2000  }
0x27: {  	s16 =	sand.u32 $0x70, s31;
	s15 =	sand.u32 $0x3F00, s31;
	[sflag:s10] =	ssyncset.done $0x0  }
0x28: {  	s15 =	sor.u32 s16, s15;
	[sflag:s10] =	ssyncadd.s32 $0xFFFFE000  }
0x29: {  	v0 =	vld [tilespmem:s15+$0x0];
	_ =	sdelay $0x6  }
0x2a: {  	v1 =	vld [tilespmem:s15+$0x6000]  }
0x2b: {  	v0 =	vld.idx.msk [tilespmem:v0+s13+$0x0], $0xffff;
	_ =	sdelay $0x1  }
0x2c: {  	v2 =	vld [tilespmem:s15+$0x80];
	_ =	sdelay $0x2  }
0x2d: {  	v0 =	vsub.f32 v0, v1;
	_ =	sdelay $0x1  }
0x2e: {  	v0 =	vadd.f32 v0, v1;
	_ =	sdelay $0x1  }
0x2f: {  	s17 =	simm.s32 $0x10;
	s16 =	simm.s32 $0x20;
	v1 =	vld [tilespmem:s15+$0x6080];
	[tilespmem:s15+$0xA000] =	vst v0  }
0x30: {  	s18 =	sand.u32 $0x70, s17;
	s17 =	simm.s32 $0x20;
	s19 =	sand.u32 $0x3F00, s16;
	v0 =	vld.idx.msk [tilespmem:v2+s13+$0x0], $0xffff  }
.LBB2_6:
0x31: {  	p0 =	sne.s32 s17, $0x1FF0;
	s18 =	sor.u32 s18, s19  }
0x32: {  	v2 =	vld [tilespmem:s18+$0x0];
	_ =	sdelay $0x2  }
0x33: {  	v0 =	vsub.f32 v0, v1;
	_ =	sdelay $0x1  }
0x34: {  	v0 =	vadd.f32 v0, v1;
	_ =	sdelay $0x1  }
0x35: {  	[tilespmem:s15+$0xA080] =	vst v0;
	s15 =	smov.u32 s18  }
0x36: {  	v0 =	vld.idx.msk [tilespmem:v2+s13+$0x0], $0xffff  }
0x37: {  	v1 =	vld [tilespmem:s15+$0x6000];
	_ =	sdelay $0x1  }
0x38: {  	v2 =	vld [tilespmem:s15+$0x80];
	_ =	sdelay $0x2  }
0x39: {  	v0 =	vsub.f32 v0, v1;
	_ =	sdelay $0x1  }
.Ltmp2:
0x3a: {  	v0 =	vadd.f32 v0, v1;
	(pc) =	sbr.rel @p0 .LBB2_6-.Ltmp2, $4  }
0x3b: {  	_ = 	snop  }
0x3c: {  	[tilespmem:s15+$0xA000] =	vst v0  }
0x3d: {  	s16 =	sadd.s32 $0x20, s16;
	v0 =	vld.idx.msk [tilespmem:v2+s13+$0x0], $0xffff  }
0x3e: {  	s19 =	sand.u32 $0x3F00, s16;
	s18 =	sand.u32 $0x70, s17;
	s17 =	sadd.s32 $0x10, s17;
	v1 =	vld [tilespmem:s15+$0x6080]  }
0x3f: {  	s16 =	sor.u32 s18, s19  }
0x40: {  	v2 =	vld [tilespmem:s16+$0x0];
	_ =	sdelay $0x2  }
0x41: {  	v0 =	vsub.f32 v0, v1;
	_ =	sdelay $0x1  }
0x42: {  	v0 =	vadd.f32 v0, v1;
	_ =	sdelay $0x1  }
0x43: {  	[tilespmem:s15+$0xA080] =	vst v0  }
0x44: {  	v0 =	vld.idx.msk [tilespmem:v2+s13+$0x0], $0xffff  }
0x45: {  	v61 =	vld [tilespmem:s16+$0x6000];
	_ =	sdelay $0x1  }
0x46: {  	v62 =	vld [tilespmem:s16+$0x80];
	_ =	sdelay $0x2  }
0x47: {  	v0 =	vsub.f32 v0, v61;
	_ =	sdelay $0x1  }
0x48: {  	v0 =	vadd.f32 v0, v61;
	_ =	sdelay $0x1  }
0x49: {  	v63 =	vld [tilespmem:s16+$0x6080];
	[tilespmem:s16+$0xA000] =	vst v0  }
0x4a: {  	v0 =	vld.idx.msk [tilespmem:v62+s13+$0x0], $0xffff;
	_ =	sdelay $0x4  }
0x4b: {  	v0 =	vsub.f32 v0, v63;
	_ =	sdelay $0x1  }
0x4c: {  	v0 =	vadd.f32 v0, v63  }
0x4d: {  	s18 =	sadd.s32 $0x0, s7  }
0x4e: {  	s17 =	simm.s32 $0xA100;
	s15 =	simm.s32 $0xA000;
	[tilespmem:s16+$0xA080] =	vst v0;
	s16 =	simm.s32 $0x80  }
.LBB2_8:
0x4f: {  	[hbm4b:s18+s2] =	stream.linear.scatter [tilespmem:s15], [sflag:$0x1], $0x80, $0x38;
	[tilespmem:$0xE000] =	vst v63  }
0x50: {  	s18 =	smov.u32 s16;
	s15 =	smov.u32 s17;
	p0 =	sne.s32 s16, $0x1F80  }
.Ltmp3:
0x51: {  	s16 =	sadd.s32 $0x80, s16;
	(pc) =	sbr.rel @p0 .LBB2_8-.Ltmp3, $2  }
0x52: {  	_ =	sdelay $0x2  }
0x53: {  	s17 =	sadd.s32 $0x100, s17;
	s18 =	sadd.s32 s18, s7  }
0x54: {  	[hbm4b:s18+s2] =	stream.linear.scatter [tilespmem:s15], [sflag:$0x1], $0x80, $0x38;
	[tilespmem:$0xE000] =	vst v63  }
0x55: {  	_ =	swait.ge [sflag:s10], $0x2000  }
0x56: {  	s15 =	simm.s32 $0xA080;
	s16 =	simm.s32 $0x80;
	[sflag:s10] =	ssyncset.done $0x0  }
0x57: {  	s18 =	sadd.s32 $0x0, s8;
	s17 =	simm.s32 $0xA180;
	[sflag:s10] =	ssyncadd.s32 $0xFFFFE000  }
.LBB2_10:
0x58: {  	[hbm4b:s18+s2] =	stream.linear.scatter [tilespmem:s15], [sflag:$0x1], $0x80, $0x38;
	[tilespmem:$0xE000] =	vst v63  }
0x59: {  	s18 =	smov.u32 s16;
	s15 =	smov.u32 s17;
	p0 =	sne.s32 s16, $0x1F80  }
.Ltmp4:
0x5a: {  	s16 =	sadd.s32 $0x80, s16;
	(pc) =	sbr.rel @p0 .LBB2_10-.Ltmp4, $2  }
0x5b: {  	_ =	sdelay $0x2  }
0x5c: {  	s17 =	sadd.s32 $0x100, s17;
	s18 =	sadd.s32 s18, s8  }
0x5d: {  	s14 =	sadd.s32 $0x1, s14  }
0x5e: {  	p0 =	sne.s32 s14, s9  }
.Ltmp5:
0x5f: {  	_ = 	snop;
	(pc) =	sbr.rel @p0 .LBB2_1-.Ltmp5, $4  }
0x60: {  	[hbm4b:s18+s2] =	stream.linear.scatter [tilespmem:s15], [sflag:$0x1], $0x80, $0x38;
	[tilespmem:$0xE000] =	vst v63  }
0x61: {  	_ =	swait.ge [sflag:s10], $0x2000  }
0x62: {  	[sflag:s10] =	ssyncset.done $0x0  }
0x63: {  	[sflag:s10] =	ssyncadd.s32 $0xFFFFE000  }
0x64: {  	_ =	sfence.sel $0x180000  }
0x65: {  	[bflag:$0x0] =	sbarrier.arrive $0xFFFF  }
0x66: {  	p0 =	sne.s32 s1, $0x0;
	_ =	strace $0x90000047  }
0x67: {  	s0 =	sadd.s32 @!p0 $0x100000, s0;
	[bflag:$0x2] =	sbarrier.arrive $0xFFFF  }
0x68: {  	[sflag:s0] =	ssyncadd.tile.s32 @!p0 $0x1;
	_ =	shalt  }
.Lfunc_end2:
_tile_overlayer_lowered:
.L_overlay_start_2:
0x69: {  	(tag) =	ssettag $0x2  }
0x6a: {  	s0 =	rddreg [dreg:$0x0];
	s2 =	stileid.u32  }
0x6b: {  	s1 =	rddreg [dreg:$0x1];
	p0 =	sne.s32 s2, $0x0  }
0x6c: {  	s3 =	rddreg [dreg:$0x2];
	[bflag:$0x3] =	sbarrier.arrive $0xFFFF;
	s2 =	simm.s32 @!p0 $0x1C01  }
0x6d: {  	[timem:s3], [sflag:s2] =	dma.local @!p0 [hbm:s0], s1  }
0x6e: {  	s0 =	simm.s32 @!p0 $0x1  }
0x6f: {  	_ =	swait.ge @!p0 [sflag:s0], s1  }
0x70: {  	s1 =	ssub.s32 @!p0 $0x0, s1;
	[sflag:s0] =	ssyncset.done @!p0 $0x0  }
0x71: {  	[sflag:s0] =	ssyncadd.s32 @!p0 s1  }
0x72: {  	[bflag:$0x3] =	sbarrier.arrive $0xFFFF  }
0x73: {  	_ =	shalt  }

</sc_bundles>
